<compile_context>
chip_gen: v7x
topology: tpu7x:2x2x1
jax: 0.10.2.dev20260603
libtpu: 0.0.44.dev20260713+nightly
codegen_flags: <defaults>
</compile_context>

<pallas_src>
import functools

import jax
import jax.numpy as jnp
from jax import lax
from jax.experimental import pallas as pl
from jax.experimental.pallas import tpu as pltpu
from jax.experimental.pallas import tpu_sc as plsc

NC = 2
NS = 16
NW = NC * NS
LANES = 16


def _leaky(v):
    return jnp.where(v >= 0, v, 0.1 * v)


def _round_up(n, m):
    return (n + m - 1) // m * m


def _fold16(vals, d):
    if d == 128:
        def f8(w):
            a = [w[i] + w[i + 4] for i in range(4)]
            b = [a[i] + a[i + 2] for i in range(2)]
            return b[0] + b[1]
        return f8(vals[:8]) + f8(vals[8:])
    m = len(vals)
    while m > 1:
        m //= 2
        vals = [vals[q] + vals[q + m] for q in range(m)]
    return vals[0]



@functools.partial(jax.jit, static_argnames=("nchunks", "c", "k", "d", "n"))
def _sc_gather_sum(table, idx_flat, nchunks, c, k, d, n):
    np_rows = nchunks * c * NW
    p = nchunks * c
    j = (c * k) // 128
    mesh = plsc.VectorSubcoreMesh(core_axis_name="c", subcore_axis_name="s")

    @functools.partial(
        pl.kernel,
        out_type=jax.ShapeDtypeStruct((np_rows, d), jnp.float32),
        mesh=mesh,
        compiler_params=pltpu.CompilerParams(use_tc_tiling_on_sc=False, needs_layout_passes=False),
        scratch_types=[
            pltpu.VMEM((c * k,), jnp.int32),
            pltpu.VMEM((c * k, d), jnp.float32),
            pltpu.VMEM((c, d), jnp.float32),
            pltpu.SemaphoreType.DMA,
        ],
    )
    def kern(table_hbm, idx_hbm, out_hbm, idx_v, rows_v, out_v, sem):
        wid = lax.axis_index("s") * NC + lax.axis_index("c")
        base = wid * p

        def chunk(i, carry):
            off = base + i * c

            @pl.when(off < n)
            def _():
                pltpu.sync_copy(idx_hbm.at[pl.ds(off * k, c * k)], idx_v)
                handles = [
                    pltpu.async_copy(
                        table_hbm.at[idx_v.at[pl.ds(jj * 128, 128)]],
                        rows_v.at[pl.ds(jj * 128, 128)], sem)
                    for jj in range(j)
                ]
                for h in handles:
                    h.wait()

                def point(cc, carry2):
                    for g in range(d // LANES):
                        sl = pl.ds(g * LANES, LANES)
                        vals = [rows_v[cc * k + kk, sl] for kk in range(k)]
                        out_v[cc, sl] = _fold16(vals, d)
                    return carry2

                lax.fori_loop(0, c, point, 0)
                pltpu.sync_copy(out_v, out_hbm.at[pl.ds(off, c)])

            return carry

        lax.fori_loop(0, nchunks, chunk, 0)

    return kern(table, idx_flat)


_ROWS_BUDGET = 320 * 1024


def _gather_sum(table, idx):
    n, k = idx.shape
    d = table.shape[1]
    c_mem = _ROWS_BUDGET // (k * d * 4)
    c = _round_up(min(c_mem, -(-n // NW)), 8)
    np_rows = _round_up(n, NW * c)
    nchunks = np_rows // (NW * c)
    idx_p = jnp.pad(idx, ((0, np_rows - n), (0, 0))).reshape(-1)
    out = _sc_gather_sum(table, idx_p, nchunks, c, k, d, n)
    return out[:n]



@functools.partial(jax.jit, static_argnames=("c", "k", "n_src"))
def _sc_gather_sum_scalar(xf, idx_flat, c, k, n_src):
    np_rows = c * NW
    mesh = plsc.VectorSubcoreMesh(core_axis_name="c", subcore_axis_name="s")

    @functools.partial(
        pl.kernel,
        out_type=jax.ShapeDtypeStruct((np_rows,), jnp.float32),
        mesh=mesh,
        compiler_params=pltpu.CompilerParams(use_tc_tiling_on_sc=False, needs_layout_passes=False),
        scratch_types=[
            pltpu.VMEM((n_src,), jnp.float32),
            pltpu.VMEM((c * k,), jnp.int32),
            pltpu.VMEM((c,), jnp.float32),
        ],
    )
    def kern(x_hbm, idx_hbm, out_hbm, x_v, idx_v, out_v):
        wid = lax.axis_index("s") * NC + lax.axis_index("c")
        base = wid * c
        pltpu.sync_copy(x_hbm, x_v)
        pltpu.sync_copy(idx_hbm.at[pl.ds(base * k, c * k)], idx_v)
        lanes = jnp.arange(LANES, dtype=jnp.int32) * k

        def group(pg, carry):
            vals = []
            for kk in range(k):
                pos = lanes + (pg * LANES * k + kk)
                nbr = plsc.load_gather(idx_v, [pos])
                vals.append(plsc.load_gather(x_v, [nbr]))
            out_v[pl.ds(pg * LANES, LANES)] = _fold16(vals, 1)
            return carry

        lax.fori_loop(0, c // LANES, group, 0)
        pltpu.sync_copy(out_v, out_hbm.at[pl.ds(base, c)])

    return kern(xf, idx_flat)


def _gather_sum_scalar(xf, idx):
    n, k = idx.shape
    c = _round_up(-(-n // NW), LANES)
    np_rows = c * NW
    idx_p = jnp.pad(idx, ((0, np_rows - n), (0, 0))).reshape(-1)
    out = _sc_gather_sum_scalar(xf, idx_p, c, k, xf.shape[0])
    return out[:n]



@functools.partial(jax.jit, static_argnames=("c", "k", "dt", "dr", "n",
                                             "n_pool"))
def _sc_pool_fused(t_table, r_table, pool_p, idx_flat, c, k, dt, dr, n,
                   n_pool):
    np_rows = c * NW
    j = (c * k) // 128
    mesh = plsc.VectorSubcoreMesh(core_axis_name="c", subcore_axis_name="s")

    @functools.partial(
        pl.kernel,
        out_type=(jax.ShapeDtypeStruct((np_rows, dt), jnp.float32),
                  jax.ShapeDtypeStruct((np_rows, dr), jnp.float32)),
        mesh=mesh,
        compiler_params=pltpu.CompilerParams(use_tc_tiling_on_sc=False, needs_layout_passes=False),
        scratch_types=[
            pltpu.VMEM((n_pool,), jnp.int32),
            pltpu.VMEM((c * k,), jnp.int32),
            pltpu.VMEM((c * k,), jnp.int32),
            pltpu.VMEM((c * k, dt), jnp.float32),
            pltpu.VMEM((c, dt), jnp.float32),
            pltpu.VMEM((c, dr), jnp.float32),
            pltpu.SemaphoreType.DMA,
            pltpu.SemaphoreType.DMA,
        ],
    )
    def kern(t_hbm, r_hbm, pool_hbm, idx_hbm, osum_hbm, orows_hbm,
             pool_v, idx_v, idx2_v, rows_v, osum_v, orows_v, sem, sem2):
        wid = lax.axis_index("s") * NC + lax.axis_index("c")
        base = wid * c

        @pl.when(base < n)
        def _():
            pltpu.sync_copy(pool_hbm, pool_v)
            hrows = pltpu.async_copy(
                r_hbm.at[pool_v.at[pl.ds(base, c)]], orows_v, sem2)
            pltpu.sync_copy(idx_hbm.at[pl.ds(base * k, c * k)], idx_v)
            lanes = jnp.arange(LANES, dtype=jnp.int32)

            def comp(gg, carry):
                pos = lanes + gg * LANES
                nbr = plsc.load_gather(idx_v, [pos])
                src = plsc.load_gather(pool_v, [nbr])
                idx2_v[pl.ds(gg * LANES, LANES)] = src
                return carry

            lax.fori_loop(0, (c * k) // LANES, comp, 0)
            handles = [
                pltpu.async_copy(
                    t_hbm.at[idx2_v.at[pl.ds(jj * 128, 128)]],
                    rows_v.at[pl.ds(jj * 128, 128)], sem)
                for jj in range(j)
            ]
            for h in handles:
                h.wait()

            def point(cc, carry2):
                for g in range(dt // LANES):
                    sl = pl.ds(g * LANES, LANES)
                    vals = [rows_v[cc * k + kk, sl] for kk in range(k)]
                    osum_v[cc, sl] = _fold16(vals, dt)
                return carry2

            lax.fori_loop(0, c, point, 0)
            pltpu.sync_copy(osum_v, osum_hbm.at[pl.ds(base, c)])
            hrows.wait()
            pltpu.sync_copy(orows_v, orows_hbm.at[pl.ds(base, c)])

    return kern(t_table, r_table, pool_p, idx_flat)


def _pool_fused(t_table, r_table, pool, neigh):
    n, k = neigh.shape
    dt, dr = t_table.shape[1], r_table.shape[1]
    c = _round_up(-(-n // NW), 8)
    np_rows = c * NW
    pool_p = jnp.pad(pool, (0, np_rows - n))
    idx_p = jnp.pad(neigh, ((0, np_rows - n), (0, 0))).reshape(-1)
    osum, orows = _sc_pool_fused(t_table, r_table, pool_p, idx_p, c, k,
                                 dt, dr, n, np_rows)
    return osum[:n], orows[:n]



def _dot(a, b):
    return jnp.dot(a, b, precision=lax.Precision.DEFAULT,
                   preferred_element_type=jnp.float32)


def _stage1_body(s_ref, w1h_ref, w1t_ref, h_ref, t_ref):
    h = _leaky(s_ref[...][:, :1] * w1h_ref[...])
    h_ref[...] = h
    t_ref[...] = _leaky(_dot(h, w1t_ref[...]))


def _tc_stage1(s1, w1h, w1t, br):
    n = s1.shape[0]
    grid = (n // br,)
    return pl.pallas_call(
        _stage1_body,
        grid=grid,
        in_specs=[
            pl.BlockSpec((br, s1.shape[1]), lambda r: (r, 0)),
            pl.BlockSpec(w1h.shape, lambda r: (0, 0)),
            pl.BlockSpec(w1t.shape, lambda r: (0, 0)),
        ],
        out_specs=[
            pl.BlockSpec((br, w1h.shape[1]), lambda r: (r, 0)),
            pl.BlockSpec((br, w1t.shape[1]), lambda r: (r, 0)),
        ],
        out_shape=[
            jax.ShapeDtypeStruct((n, w1h.shape[1]), jnp.float32),
            jax.ShapeDtypeStruct((n, w1t.shape[1]), jnp.float32),
        ],
    )(s1, w1h, w1t)


def _resblock_body(has_ws, has_w1n, *refs):
    i = 0
    x_ref = refs[i]; i += 1
    s_ref = refs[i]; i += 1
    wk_ref = refs[i]; i += 1
    w2_ref = refs[i]; i += 1
    ws_ref = None
    if has_ws:
        ws_ref = refs[i]; i += 1
    w1n_ref = None
    if has_w1n:
        w1n_ref = refs[i]; i += 1
    out_ref = refs[i]; i += 1

    x = x_ref[...]
    h = _leaky(_dot(s_ref[...], wk_ref[...]))
    h = _dot(h, w2_ref[...])
    sc = _dot(x, ws_ref[...]) if has_ws else x
    out = _leaky(h + sc)
    out_ref[...] = out
    if has_w1n:
        refs[i][...] = _leaky(_dot(out, w1n_ref[...]))


def _tc_resblock(x, s, wk, w2, ws=None, w1n=None, br=None):
    n, din = x.shape
    o = w2.shape[1]
    if br is None:
        br = n
    grid = (n // br,)
    ins = [x, s, wk, w2]
    in_specs = [
        pl.BlockSpec((br, din), lambda r: (r, 0)),
        pl.BlockSpec((br, wk.shape[0]), lambda r: (r, 0)),
        pl.BlockSpec(wk.shape, lambda r: (0, 0)),
        pl.BlockSpec(w2.shape, lambda r: (0, 0)),
    ]
    if ws is not None:
        ins.append(ws)
        in_specs.append(pl.BlockSpec(ws.shape, lambda r: (0, 0)))
    if w1n is not None:
        ins.append(w1n)
        in_specs.append(pl.BlockSpec(w1n.shape, lambda r: (0, 0)))
    out_specs = [pl.BlockSpec((br, o), lambda r: (r, 0))]
    out_shape = [jax.ShapeDtypeStruct((n, o), jnp.float32)]
    if w1n is not None:
        out_specs.append(pl.BlockSpec((br, w1n.shape[1]), lambda r: (r, 0)))
        out_shape.append(jax.ShapeDtypeStruct((n, w1n.shape[1]), jnp.float32))
    res = pl.pallas_call(
        functools.partial(_resblock_body, ws is not None, w1n is not None),
        grid=grid,
        in_specs=in_specs,
        out_specs=out_specs,
        out_shape=out_shape,
    )(*ins)
    if w1n is None:
        return res[0]
    return res


def _final_body(x_ref, s_ref, wk_ref, w2_ref, ws_ref, cw_ref, cg_ref, cb_ref,
                f_ref):
    h = _leaky(_dot(s_ref[...], wk_ref[...]))
    h = _dot(h, w2_ref[...])
    out = _leaky(h + _dot(x_ref[...], ws_ref[...]))
    z = _dot(out, cw_ref[...])
    mu = jnp.mean(z, axis=0, keepdims=True)
    var = jnp.mean((z - mu) ** 2, axis=0, keepdims=True)
    zn = (z - mu) / jnp.sqrt(var + 1e-5)
    f_ref[...] = _leaky(zn * cg_ref[...] + cb_ref[...])


def _tc_final(x, s, wk, w2, ws, cw, cg, cb):
    n = x.shape[0]
    return pl.pallas_call(
        _final_body,
        out_shape=jax.ShapeDtypeStruct((n, cw.shape[1]), jnp.float32),
    )(x, s, wk, w2, ws, cw, cg.reshape(1, -1), cb.reshape(1, -1))



def kernel(x, params, neigh1, neigh2, neigh3, neigh4, pool1, pool2):
    p = params
    kk = neigh1.shape[1]
    inv_k = 1.0 / kk

    s1 = _gather_sum_scalar(x[:, 0], neigh1)[:, None]
    h1, t1 = _tc_stage1(s1, p['kp1'] * inv_k, p['rb1']['W1'], br=2000)

    s2 = _gather_sum(t1, neigh1)
    h2, t2 = _tc_resblock(h1, s2, p['rb1']['Wk'] * inv_k, p['rb1']['W2'],
                          ws=p['rb1']['Ws'], w1n=p['ra1']['W1'], br=2000)
    s3 = _gather_sum(t2, neigh1)
    h3, tf1 = _tc_resblock(h2, s3, p['ra1']['Wk'] * inv_k, p['ra1']['W2'],
                           ws=None, w1n=p['rb2a']['W1'], br=2000)
    skip1 = h3

    s4, x2 = _pool_fused(tf1, h3, pool1, neigh2)

    h4, t4 = _tc_resblock(x2, s4, p['rb2a']['Wk'] * inv_k, p['rb2a']['W2'],
                          ws=p['rb2a']['Ws'], w1n=p['rb2b']['W1'])
    s5 = _gather_sum(t4, neigh2)
    h5, t5 = _tc_resblock(h4, s5, p['rb2b']['Wk'] * inv_k, p['rb2b']['W2'],
                          ws=p['rb2b']['Ws'], w1n=p['ra2']['W1'])
    s6 = _gather_sum(t5, neigh2)
    h6, tf2 = _tc_resblock(h5, s6, p['ra2']['Wk'] * inv_k, p['ra2']['W2'],
                           ws=None, w1n=p['rb3a']['W1'])
    skip2 = h6

    s7, x3 = _pool_fused(tf2, h6, pool2, neigh3)

    h7, t7 = _tc_resblock(x3, s7, p['rb3a']['Wk'] * inv_k, p['rb3a']['W2'],
                          ws=p['rb3a']['Ws'], w1n=p['rb3b']['W1'])
    s8 = _gather_sum(t7, neigh3)
    h8, t8 = _tc_resblock(h7, s8, p['rb3b']['Wk'] * inv_k, p['rb3b']['W2'],
                          ws=p['rb3b']['Ws'], w1n=p['ra3']['W1'])
    s9 = _gather_sum(t8, neigh3)
    h9, t9 = _tc_resblock(h8, s9, p['ra3']['Wk'] * inv_k, p['ra3']['W2'],
                          ws=None, w1n=p['rb4a']['W1'])
    skip3 = h9

    s10 = _gather_sum(t9, neigh4)
    h10, t10 = _tc_resblock(h9, s10, p['rb4a']['Wk'] * inv_k, p['rb4a']['W2'],
                            ws=p['rb4a']['Ws'], w1n=p['rb4b']['W1'])
    s11 = _gather_sum(t10, neigh4)
    final = _tc_final(h10, s11, p['rb4b']['Wk'] * inv_k, p['rb4b']['W2'],
                      p['rb4b']['Ws'], p['c4_W'], p['c4_g'], p['c4_b'])

    return final, skip1, skip2, skip3

# --- scband reference (transcript-rebuilt; emitter-appended) ---
"""Pipeline reference for scband-encoder-15814069584195 (READ-ONLY COPY).

The authoritative reference and input builder live on the scoring server;
editing this copy changes nothing except your own understanding.
"""

import jax, jax.numpy as jnp
import numpy as np


def _leaky(x):
    return jax.nn.leaky_relu(x, 0.1)


def _kpconv(x, neigh, W):
    # gather neighbor features [N, K, d_in], aggregate, then pointwise conv
    agg = jnp.take(x, neigh, axis=0).mean(axis=1)
    return agg @ W


def _resb(x, neigh, p):
    # ResBlock_B: bottleneck 1x1 -> KPConv -> 1x1, conv shortcut
    h = _leaky(x @ p['W1'])
    h = _leaky(_kpconv(h, neigh, p['Wk']))
    h = h @ p['W2']
    return _leaky(h + x @ p['Ws'])


def _resa(x, neigh, p):
    # ResBlock_A: bottleneck 1x1 -> KPConv -> 1x1, identity shortcut
    h = _leaky(x @ p['W1'])
    h = _leaky(_kpconv(h, neigh, p['Wk']))
    h = h @ p['W2']
    return _leaky(h + x)


def _make_params(key):
    keys = list(jax.random.split(key, 64))
    ctr = [0]
    def nk():
        k = keys[ctr[0]]
        ctr[0] += 1
        return k
    def lin(i, o):
        return jax.random.normal(nk(), (i, o), jnp.float32) / np.sqrt(i)
    def rb(i, o):
        b = o // 4
        return {'W1': lin(i, b), 'Wk': lin(b, b), 'W2': lin(b, o), 'Ws': lin(i, o)}
    def ra(o):
        b = o // 4
        return {'W1': lin(o, b), 'Wk': lin(b, b), 'W2': lin(b, o)}
    return {
        'kp1': lin(1, 64),
        'rb1': rb(64, 128), 'ra1': ra(128),
        'rb2a': rb(128, 256), 'rb2b': rb(256, 256), 'ra2': ra(256),
        'rb3a': rb(256, 512), 'rb3b': rb(512, 512), 'ra3': ra(512),
        'rb4a': rb(512, 1024), 'rb4b': rb(1024, 1024),
        'c4_W': lin(1024, 256),
        'c4_g': jnp.ones((256,), jnp.float32),
        'c4_b': jnp.zeros((256,), jnp.float32),
    }


def setup_inputs(seed: int = 0) -> dict:
    key = jax.random.key(seed)
    ks = jax.random.split(key, 9)
    N1, N2, N3, K = 10000, 2500, 625, 16
    return {
        'x': jax.random.normal(ks[0], (N1, 1), jnp.float32),
        'params': _make_params(ks[1]),
        'neigh1': jax.random.randint(ks[2], (N1, K), 0, N1, jnp.int32),
        'neigh2': jax.random.randint(ks[3], (N2, K), 0, N2, jnp.int32),
        'neigh3': jax.random.randint(ks[4], (N3, K), 0, N3, jnp.int32),
        'neigh4': jax.random.randint(ks[5], (N3, K), 0, N3, jnp.int32),
        'pool1': jax.random.randint(ks[6], (N2,), 0, N1, jnp.int32),
        'pool2': jax.random.randint(ks[7], (N3,), 0, N2, jnp.int32),
    }


def _forward(x, params, neigh1, neigh2, neigh3, neigh4, pool1, pool2):
    # block1: KPConvNeighbors(1->64) + LeakyReLU(0.1) + ResBlock_B(64->128) + ResBlock_A(128)
    h = _leaky(_kpconv(x, neigh1, params['kp1']))
    h = _resb(h, neigh1, params['rb1'])
    h = _resa(h, neigh1, params['ra1'])
    skip1 = h
    h = jnp.take(h, pool1, axis=0)  # subsample to superpoints
    # block2
    h = _resb(h, neigh2, params['rb2a'])
    h = _resb(h, neigh2, params['rb2b'])
    h = _resa(h, neigh2, params['ra2'])
    skip2 = h
    h = jnp.take(h, pool2, axis=0)
    # block3
    h = _resb(h, neigh3, params['rb3a'])
    h = _resb(h, neigh3, params['rb3b'])
    h = _resa(h, neigh3, params['ra3'])
    skip3 = h
    # block4 (no further subsampling; new neighborhoods at largest radius)
    h = _resb(h, neigh4, params['rb4a'])
    h = _resb(h, neigh4, params['rb4b'])
    # Conv1D(1024->256) with batch norm + leaky relu
    z = h @ params['c4_W']
    mu = z.mean(axis=0)
    var = z.var(axis=0)
    z = (z - mu) / jnp.sqrt(var + 1e-5)
    h = _leaky(z * params['c4_g'] + params['c4_b'])
    return h, skip1, skip2, skip3


def reference(x, params, neigh1, neigh2, neigh3, neigh4, pool1, pool2):
    return _forward(x, params, neigh1, neigh2, neigh3, neigh4, pool1, pool2)

if __name__ == "__main__":
    import jax
    _d = setup_inputs()
    print(jax.jit(kernel)(*tuple(_d.values())))

</pallas_src>

<mosaic_0001>
#map = affine_map<(d0, d1) -> (0)>
module attributes {stable_mosaic.version = 14 : i64} {
  func.func @kern(%arg0: i32, %arg1: i32, %arg2: memref<10000xf32, #tpu.memory_space<hbm>>, %arg3: memref<163840xi32, #tpu.memory_space<hbm>>, %arg4: memref<10240xf32, #tpu.memory_space<hbm>>, %arg5: memref<10000xf32, #tpu.memory_space<vmem>>, %arg6: memref<5120xi32, #tpu.memory_space<vmem>>, %arg7: memref<320xf32, #tpu.memory_space<vmem>>) attributes {dimension_semantics = [#tpu.dimension_semantics<core_parallel>, #tpu.dimension_semantics<subcore_parallel>], iteration_bounds = array<i64: 2, 16>, scalar_prefetch = 0 : i64, scratch_operands = 3 : i64, tpu.core_type = #tpu.core_type<sc_vector_subcore>, window_params = [{transform_indices = #map}, {transform_indices = #map}, {transform_indices = #map}]} {
    %mul3A = arith.constant 2 : i32
    %mul3A_0 = arith.muli %arg1, %mul3A : i32
    %add3A = arith.addi %mul3A_0, %arg0 : i32
    %mul3A_1 = arith.constant 320 : i32
    %mul3A_2 = arith.muli %add3A, %mul3A_1 : i32
    "tpu.region"() ({
      %run_scoped3A = tpu.sem_alloc : memref<!tpu.dma_semaphore, #tpu.memory_space<semaphore_mem>>
      tpu.enqueue_dma source(%arg2 : memref<10000xf32, #tpu.memory_space<hbm>>) target(%arg5 : memref<10000xf32, #tpu.memory_space<vmem>>) target_semaphore(%run_scoped3A : memref<!tpu.dma_semaphore, #tpu.memory_space<semaphore_mem>>)
      tpu.wait_dma2 semaphore(%run_scoped3A : memref<!tpu.dma_semaphore, #tpu.memory_space<semaphore_mem>>) src(%arg2 : memref<10000xf32, #tpu.memory_space<hbm>>) dst(%arg5 : memref<10000xf32, #tpu.memory_space<vmem>>)
      tpu.yield
    }) : () -> ()
    %mul3A_3 = arith.constant 16 : i32
    %mul3A_4 = arith.muli %mul3A_2, %mul3A_3 : i32
    "tpu.region"() ({
      %run_scoped3A = tpu.sem_alloc : memref<!tpu.dma_semaphore, #tpu.memory_space<semaphore_mem>>
      %dma_start3A = tpu.memref_slice %arg3[%mul3A_4] : memref<163840xi32, #tpu.memory_space<hbm>> -> memref<5120xi32, #tpu.memory_space<hbm>>
      %dma_start3A_13 = tpu.memref_slice %arg3[%mul3A_4] : memref<163840xi32, #tpu.memory_space<hbm>> -> memref<5120xi32, #tpu.memory_space<hbm>>
      tpu.enqueue_dma source(%dma_start3A_13 : memref<5120xi32, #tpu.memory_space<hbm>>) target(%arg6 : memref<5120xi32, #tpu.memory_space<vmem>>) target_semaphore(%run_scoped3A : memref<!tpu.dma_semaphore, #tpu.memory_space<semaphore_mem>>)
      %dma_wait3A = tpu.memref_slice %arg3[%mul3A_4] : memref<163840xi32, #tpu.memory_space<hbm>> -> memref<5120xi32, #tpu.memory_space<hbm>>
      %dma_wait3A_14 = tpu.memref_slice %arg3[%mul3A_4] : memref<163840xi32, #tpu.memory_space<hbm>> -> memref<5120xi32, #tpu.memory_space<hbm>>
      tpu.wait_dma2 semaphore(%run_scoped3A : memref<!tpu.dma_semaphore, #tpu.memory_space<semaphore_mem>>) src(%dma_wait3A_14 : memref<5120xi32, #tpu.memory_space<hbm>>) dst(%arg6 : memref<5120xi32, #tpu.memory_space<vmem>>)
      tpu.yield
    }) : () -> ()
    %iota3A = tpu.iota {dimensions = array<i32: 0>} : vector<16xi32>
    %mul3A_5 = arith.constant 16 : i32
    %mul3A_6 = vector.broadcast %mul3A_5 : i32 to vector<16xi32>
    %mul3A_7 = arith.muli %iota3A, %mul3A_6 : vector<16xi32>
    %scan3A = arith.constant 0 : i32
    %scan3A_8 = arith.constant 0 : i32
    %scan3A_9 = arith.constant 20 : i32
    %scan3A_10 = arith.addi %scan3A_8, %scan3A_9 : i32
    %scan3A_11 = arith.constant 1 : i32
    scf.for %scan3A_13 = %scan3A_8 to %scan3A_10 step %scan3A_11  : i32 {
      %mul3A_14 = arith.constant 16 : i32
      %mul3A_15 = arith.muli %scan3A_13, %mul3A_14 : i32
      %mul3A_16 = arith.constant 16 : i32
      %mul3A_17 = arith.muli %mul3A_15, %mul3A_16 : i32
      %add3A_18 = arith.constant 0 : i32
      %add3A_19 = arith.addi %mul3A_17, %add3A_18 : i32
      %add3A_20 = vector.broadcast %add3A_19 : i32 to vector<16xi32>
      %add3A_21 = arith.addi %mul3A_7, %add3A_20 : vector<16xi32>
      %gather3A = tpu.vector_load_idx %arg6[%add3A_21] : memref<5120xi32, #tpu.memory_space<vmem>>[vector<16xi32>], vector<16xi32>,
      %gather3A_22 = tpu.vector_load_idx %arg5[%gather3A] : memref<10000xf32, #tpu.memory_space<vmem>>[vector<16xi32>], vector<16xf32>,
      %mul3A_23 = arith.constant 16 : i32
      %mul3A_24 = arith.muli %scan3A_13, %mul3A_23 : i32
      %mul3A_25 = arith.constant 16 : i32
      %mul3A_26 = arith.muli %mul3A_24, %mul3A_25 : i32
      %add3A_27 = arith.constant 1 : i32
      %add3A_28 = arith.addi %mul3A_26, %add3A_27 : i32
      %add3A_29 = vector.broadcast %add3A_28 : i32 to vector<16xi32>
      %add3A_30 = arith.addi %mul3A_7, %add3A_29 : vector<16xi32>
      %gather3A_31 = tpu.vector_load_idx %arg6[%add3A_30] : memref<5120xi32, #tpu.memory_space<vmem>>[vector<16xi32>], vector<16xi32>,
      %gather3A_32 = tpu.vector_load_idx %arg5[%gather3A_31] : memref<10000xf32, #tpu.memory_space<vmem>>[vector<16xi32>], vector<16xf32>,
      %mul3A_33 = arith.constant 16 : i32
      %mul3A_34 = arith.muli %scan3A_13, %mul3A_33 : i32
      %mul3A_35 = arith.constant 16 : i32
      %mul3A_36 = arith.muli %mul3A_34, %mul3A_35 : i32
      %add3A_37 = arith.constant 2 : i32
      %add3A_38 = arith.addi %mul3A_36, %add3A_37 : i32
      %add3A_39 = vector.broadcast %add3A_38 : i32 to vector<16xi32>
      %add3A_40 = arith.addi %mul3A_7, %add3A_39 : vector<16xi32>
      %gather3A_41 = tpu.vector_load_idx %arg6[%add3A_40] : memref<5120xi32, #tpu.memory_space<vmem>>[vector<16xi32>], vector<16xi32>,
      %gather3A_42 = tpu.vector_load_idx %arg5[%gather3A_41] : memref<10000xf32, #tpu.memory_space<vmem>>[vector<16xi32>], vector<16xf32>,
      %mul3A_43 = arith.constant 16 : i32
      %mul3A_44 = arith.muli %scan3A_13, %mul3A_43 : i32
      %mul3A_45 = arith.constant 16 : i32
      %mul3A_46 = arith.muli %mul3A_44, %mul3A_45 : i32
      %add3A_47 = arith.constant 3 : i32
      %add3A_48 = arith.addi %mul3A_46, %add3A_47 : i32
      %add3A_49 = vector.broadcast %add3A_48 : i32 to vector<16xi32>
      %add3A_50 = arith.addi %mul3A_7, %add3A_49 : vector<16xi32>
      %gather3A_51 = tpu.vector_load_idx %arg6[%add3A_50] : memref<5120xi32, #tpu.memory_space<vmem>>[vector<16xi32>], vector<16xi32>,
      %gather3A_52 = tpu.vector_load_idx %arg5[%gather3A_51] : memref<10000xf32, #tpu.memory_space<vmem>>[vector<16xi32>], vector<16xf32>,
      %mul3A_53 = arith.constant 16 : i32
      %mul3A_54 = arith.muli %scan3A_13, %mul3A_53 : i32
      %mul3A_55 = arith.constant 16 : i32
      %mul3A_56 = arith.muli %mul3A_54, %mul3A_55 : i32
      %add3A_57 = arith.constant 4 : i32
      %add3A_58 = arith.addi %mul3A_56, %add3A_57 : i32
      %add3A_59 = vector.broadcast %add3A_58 : i32 to vector<16xi32>
      %add3A_60 = arith.addi %mul3A_7, %add3A_59 : vector<16xi32>
      %gather3A_61 = tpu.vector_load_idx %arg6[%add3A_60] : memref<5120xi32, #tpu.memory_space<vmem>>[vector<16xi32>], vector<16xi32>,
      %gather3A_62 = tpu.vector_load_idx %arg5[%gather3A_61] : memref<10000xf32, #tpu.memory_space<vmem>>[vector<16xi32>], vector<16xf32>,
      %mul3A_63 = arith.constant 16 : i32
      %mul3A_64 = arith.muli %scan3A_13, %mul3A_63 : i32
      %mul3A_65 = arith.constant 16 : i32
      %mul3A_66 = arith.muli %mul3A_64, %mul3A_65 : i32
      %add3A_67 = arith.constant 5 : i32
      %add3A_68 = arith.addi %mul3A_66, %add3A_67 : i32
      %add3A_69 = vector.broadcast %add3A_68 : i32 to vector<16xi32>
      %add3A_70 = arith.addi %mul3A_7, %add3A_69 : vector<16xi32>
      %gather3A_71 = tpu.vector_load_idx %arg6[%add3A_70] : memref<5120xi32, #tpu.memory_space<vmem>>[vector<16xi32>], vector<16xi32>,
      %gather3A_72 = tpu.vector_load_idx %arg5[%gather3A_71] : memref<10000xf32, #tpu.memory_space<vmem>>[vector<16xi32>], vector<16xf32>,
      %mul3A_73 = arith.constant 16 : i32
      %mul3A_74 = arith.muli %scan3A_13, %mul3A_73 : i32
      %mul3A_75 = arith.constant 16 : i32
      %mul3A_76 = arith.muli %mul3A_74, %mul3A_75 : i32
      %add3A_77 = arith.constant 6 : i32
      %add3A_78 = arith.addi %mul3A_76, %add3A_77 : i32
      %add3A_79 = vector.broadcast %add3A_78 : i32 to vector<16xi32>
      %add3A_80 = arith.addi %mul3A_7, %add3A_79 : vector<16xi32>
      %gather3A_81 = tpu.vector_load_idx %arg6[%add3A_80] : memref<5120xi32, #tpu.memory_space<vmem>>[vector<16xi32>], vector<16xi32>,
      %gather3A_82 = tpu.vector_load_idx %arg5[%gather3A_81] : memref<10000xf32, #tpu.memory_space<vmem>>[vector<16xi32>], vector<16xf32>,
      %mul3A_83 = arith.constant 16 : i32
      %mul3A_84 = arith.muli %scan3A_13, %mul3A_83 : i32
      %mul3A_85 = arith.constant 16 : i32
      %mul3A_86 = arith.muli %mul3A_84, %mul3A_85 : i32
      %add3A_87 = arith.constant 7 : i32
      %add3A_88 = arith.addi %mul3A_86, %add3A_87 : i32
      %add3A_89 = vector.broadcast %add3A_88 : i32 to vector<16xi32>
      %add3A_90 = arith.addi %mul3A_7, %add3A_89 : vector<16xi32>
      %gather3A_91 = tpu.vector_load_idx %arg6[%add3A_90] : memref<5120xi32, #tpu.memory_space<vmem>>[vector<16xi32>], vector<16xi32>,
      %gather3A_92 = tpu.vector_load_idx %arg5[%gather3A_91] : memref<10000xf32, #tpu.memory_space<vmem>>[vector<16xi32>], vector<16xf32>,
      %mul3A_93 = arith.constant 16 : i32
      %mul3A_94 = arith.muli %scan3A_13, %mul3A_93 : i32
      %mul3A_95 = arith.constant 16 : i32
      %mul3A_96 = arith.muli %mul3A_94, %mul3A_95 : i32
      %add3A_97 = arith.constant 8 : i32
      %add3A_98 = arith.addi %mul3A_96, %add3A_97 : i32
      %add3A_99 = vector.broadcast %add3A_98 : i32 to vector<16xi32>
      %add3A_100 = arith.addi %mul3A_7, %add3A_99 : vector<16xi32>
      %gather3A_101 = tpu.vector_load_idx %arg6[%add3A_100] : memref<5120xi32, #tpu.memory_space<vmem>>[vector<16xi32>], vector<16xi32>,
      %gather3A_102 = tpu.vector_load_idx %arg5[%gather3A_101] : memref<10000xf32, #tpu.memory_space<vmem>>[vector<16xi32>], vector<16xf32>,
      %mul3A_103 = arith.constant 16 : i32
      %mul3A_104 = arith.muli %scan3A_13, %mul3A_103 : i32
      %mul3A_105 = arith.constant 16 : i32
      %mul3A_106 = arith.muli %mul3A_104, %mul3A_105 : i32
      %add3A_107 = arith.constant 9 : i32
      %add3A_108 = arith.addi %mul3A_106, %add3A_107 : i32
      %add3A_109 = vector.broadcast %add3A_108 : i32 to vector<16xi32>
      %add3A_110 = arith.addi %mul3A_7, %add3A_109 : vector<16xi32>
      %gather3A_111 = tpu.vector_load_idx %arg6[%add3A_110] : memref<5120xi32, #tpu.memory_space<vmem>>[vector<16xi32>], vector<16xi32>,
      %gather3A_112 = tpu.vector_load_idx %arg5[%gather3A_111] : memref<10000xf32, #tpu.memory_space<vmem>>[vector<16xi32>], vector<16xf32>,
      %mul3A_113 = arith.constant 16 : i32
      %mul3A_114 = arith.muli %scan3A_13, %mul3A_113 : i32
      %mul3A_115 = arith.constant 16 : i32
      %mul3A_116 = arith.muli %mul3A_114, %mul3A_115 : i32
      %add3A_117 = arith.constant 10 : i32
      %add3A_118 = arith.addi %mul3A_116, %add3A_117 : i32
      %add3A_119 = vector.broadcast %add3A_118 : i32 to vector<16xi32>
      %add3A_120 = arith.addi %mul3A_7, %add3A_119 : vector<16xi32>
      %gather3A_121 = tpu.vector_load_idx %arg6[%add3A_120] : memref<5120xi32, #tpu.memory_space<vmem>>[vector<16xi32>], vector<16xi32>,
      %gather3A_122 = tpu.vector_load_idx %arg5[%gather3A_121] : memref<10000xf32, #tpu.memory_space<vmem>>[vector<16xi32>], vector<16xf32>,
      %mul3A_123 = arith.constant 16 : i32
      %mul3A_124 = arith.muli %scan3A_13, %mul3A_123 : i32
      %mul3A_125 = arith.constant 16 : i32
      %mul3A_126 = arith.muli %mul3A_124, %mul3A_125 : i32
      %add3A_127 = arith.constant 11 : i32
      %add3A_128 = arith.addi %mul3A_126, %add3A_127 : i32
      %add3A_129 = vector.broadcast %add3A_128 : i32 to vector<16xi32>
      %add3A_130 = arith.addi %mul3A_7, %add3A_129 : vector<16xi32>
      %gather3A_131 = tpu.vector_load_idx %arg6[%add3A_130] : memref<5120xi32, #tpu.memory_space<vmem>>[vector<16xi32>], vector<16xi32>,
      %gather3A_132 = tpu.vector_load_idx %arg5[%gather3A_131] : memref<10000xf32, #tpu.memory_space<vmem>>[vector<16xi32>], vector<16xf32>,
      %mul3A_133 = arith.constant 16 : i32
      %mul3A_134 = arith.muli %scan3A_13, %mul3A_133 : i32
      %mul3A_135 = arith.constant 16 : i32
      %mul3A_136 = arith.muli %mul3A_134, %mul3A_135 : i32
      %add3A_137 = arith.constant 12 : i32
      %add3A_138 = arith.addi %mul3A_136, %add3A_137 : i32
      %add3A_139 = vector.broadcast %add3A_138 : i32 to vector<16xi32>
      %add3A_140 = arith.addi %mul3A_7, %add3A_139 : vector<16xi32>
      %gather3A_141 = tpu.vector_load_idx %arg6[%add3A_140] : memref<5120xi32, #tpu.memory_space<vmem>>[vector<16xi32>], vector<16xi32>,
      %gather3A_142 = tpu.vector_load_idx %arg5[%gather3A_141] : memref<10000xf32, #tpu.memory_space<vmem>>[vector<16xi32>], vector<16xf32>,
      %mul3A_143 = arith.constant 16 : i32
      %mul3A_144 = arith.muli %scan3A_13, %mul3A_143 : i32
      %mul3A_145 = arith.constant 16 : i32
      %mul3A_146 = arith.muli %mul3A_144, %mul3A_145 : i32
      %add3A_147 = arith.constant 13 : i32
      %add3A_148 = arith.addi %mul3A_146, %add3A_147 : i32
      %add3A_149 = vector.broadcast %add3A_148 : i32 to vector<16xi32>
      %add3A_150 = arith.addi %mul3A_7, %add3A_149 : vector<16xi32>
      %gather3A_151 = tpu.vector_load_idx %arg6[%add3A_150] : memref<5120xi32, #tpu.memory_space<vmem>>[vector<16xi32>], vector<16xi32>,
      %gather3A_152 = tpu.vector_load_idx %arg5[%gather3A_151] : memref<10000xf32, #tpu.memory_space<vmem>>[vector<16xi32>], vector<16xf32>,
      %mul3A_153 = arith.constant 16 : i32
      %mul3A_154 = arith.muli %scan3A_13, %mul3A_153 : i32
      %mul3A_155 = arith.constant 16 : i32
      %mul3A_156 = arith.muli %mul3A_154, %mul3A_155 : i32
      %add3A_157 = arith.constant 14 : i32
      %add3A_158 = arith.addi %mul3A_156, %add3A_157 : i32
      %add3A_159 = vector.broadcast %add3A_158 : i32 to vector<16xi32>
      %add3A_160 = arith.addi %mul3A_7, %add3A_159 : vector<16xi32>
      %gather3A_161 = tpu.vector_load_idx %arg6[%add3A_160] : memref<5120xi32, #tpu.memory_space<vmem>>[vector<16xi32>], vector<16xi32>,
      %gather3A_162 = tpu.vector_load_idx %arg5[%gather3A_161] : memref<10000xf32, #tpu.memory_space<vmem>>[vector<16xi32>], vector<16xf32>,
      %mul3A_163 = arith.constant 16 : i32
      %mul3A_164 = arith.muli %scan3A_13, %mul3A_163 : i32
      %mul3A_165 = arith.constant 16 : i32
      %mul3A_166 = arith.muli %mul3A_164, %mul3A_165 : i32
      %add3A_167 = arith.constant 15 : i32
      %add3A_168 = arith.addi %mul3A_166, %add3A_167 : i32
      %add3A_169 = vector.broadcast %add3A_168 : i32 to vector<16xi32>
      %add3A_170 = arith.addi %mul3A_7, %add3A_169 : vector<16xi32>
      %gather3A_171 = tpu.vector_load_idx %arg6[%add3A_170] : memref<5120xi32, #tpu.memory_space<vmem>>[vector<16xi32>], vector<16xi32>,
      %gather3A_172 = tpu.vector_load_idx %arg5[%gather3A_171] : memref<10000xf32, #tpu.memory_space<vmem>>[vector<16xi32>], vector<16xf32>,
      %add3A_173 = arith.addf %gather3A_22, %gather3A_102 : vector<16xf32>
      %add3A_174 = arith.addf %gather3A_32, %gather3A_112 : vector<16xf32>
      %add3A_175 = arith.addf %gather3A_42, %gather3A_122 : vector<16xf32>
      %add3A_176 = arith.addf %gather3A_52, %gather3A_132 : vector<16xf32>
      %add3A_177 = arith.addf %gather3A_62, %gather3A_142 : vector<16xf32>
      %add3A_178 = arith.addf %gather3A_72, %gather3A_152 : vector<16xf32>
      %add3A_179 = arith.addf %gather3A_82, %gather3A_162 : vector<16xf32>
      %add3A_180 = arith.addf %gather3A_92, %gather3A_172 : vector<16xf32>
      %add3A_181 = arith.addf %add3A_173, %add3A_177 : vector<16xf32>
      %add3A_182 = arith.addf %add3A_174, %add3A_178 : vector<16xf32>
      %add3A_183 = arith.addf %add3A_175, %add3A_179 : vector<16xf32>
      %add3A_184 = arith.addf %add3A_176, %add3A_180 : vector<16xf32>
      %add3A_185 = arith.addf %add3A_181, %add3A_183 : vector<16xf32>
      %add3A_186 = arith.addf %add3A_182, %add3A_184 : vector<16xf32>
      %add3A_187 = arith.addf %add3A_185, %add3A_186 : vector<16xf32>
      %mul3A_188 = arith.constant 16 : i32
      %mul3A_189 = arith.muli %scan3A_13, %mul3A_188 : i32
      %swap3A = arith.index_cast %mul3A_189 : i32 to index
      %swap3A_190 = tpu.vector_load %arg7[%swap3A] {strides = array<i32>} : memref<320xf32, #tpu.memory_space<vmem>>, vector<16xf32>,
      tpu.vector_store %arg7[%swap3A], %add3A_187 {strides = array<i32>} : memref<320xf32, #tpu.memory_space<vmem>>, vector<16xf32>,
    }
    %scan3A_12 = arith.constant 20 : i32
    "tpu.region"() ({
      %run_scoped3A = tpu.sem_alloc : memref<!tpu.dma_semaphore, #tpu.memory_space<semaphore_mem>>
      %dma_start3A = tpu.memref_slice %arg4[%mul3A_2] : memref<10240xf32, #tpu.memory_space<hbm>> -> memref<320xf32, #tpu.memory_space<hbm>>
      %dma_start3A_13 = tpu.memref_slice %arg4[%mul3A_2] : memref<10240xf32, #tpu.memory_space<hbm>> -> memref<320xf32, #tpu.memory_space<hbm>>
      tpu.enqueue_dma source(%arg7 : memref<320xf32, #tpu.memory_space<vmem>>) target(%dma_start3A_13 : memref<320xf32, #tpu.memory_space<hbm>>) target_semaphore(%run_scoped3A : memref<!tpu.dma_semaphore, #tpu.memory_space<semaphore_mem>>)
      %dma_wait3A = tpu.memref_slice %arg4[%mul3A_2] : memref<10240xf32, #tpu.memory_space<hbm>> -> memref<320xf32, #tpu.memory_space<hbm>>
      %dma_wait3A_14 = tpu.memref_slice %arg4[%mul3A_2] : memref<10240xf32, #tpu.memory_space<hbm>> -> memref<320xf32, #tpu.memory_space<hbm>>
      tpu.wait_dma2 semaphore(%run_scoped3A : memref<!tpu.dma_semaphore, #tpu.memory_space<semaphore_mem>>) src(%arg7 : memref<320xf32, #tpu.memory_space<vmem>>) dst(%dma_wait3A_14 : memref<320xf32, #tpu.memory_space<hbm>>)
      tpu.yield
    }) : () -> ()
    return
  }
}

</mosaic_0001>

<sc_bundles>
// kernel: _sc_gather_sum_scalar.3.cloned.1.call-start
scs
__scs_entry_jumppad:
0x0: {  	(pc) =	sbr.rel $0x88, $3  }
0x1: {  	(tag) =	ssettag $0x0;
	lr =	simm.s32 $0x1  }
0x2: {  	[smem:$0x3F9F] =	sst lr;
	_ =	strace $0xD0000000  }
0x3: {  	_ = 	snop  }
0x4: {  	_ = 	snop  }
0x5: {  	_ = 	snop  }
0x6: {  	_ = 	snop  }
0x7: {  	_ = 	snop  }
__scs_overlays_trampoline_lowered:
0x8: {  	[smem:$0x3FAE] =	sst s0  }
0x9: {  	[smem:$0x3FAF] =	sst s1  }
0xa: {  	[smem:$0x3FB0] =	sst s2  }
0xb: {  	[smem:$0x3FB1] =	sst s3  }
0xc: {  	[smem:$0x3FB2] =	sst s4  }
0xd: {  	[smem:$0x3FB3] =	sst s5  }
0xe: {  	[smem:$0x3FB4] =	sst s6  }
0xf: {  	[smem:$0x3FB5] =	sst s7  }
0x10: {  	[smem:$0x3FB6] =	sst s8  }
0x11: {  	[smem:$0x3FB7] =	sst s9;
	s0 =	simm.s32 @!p0 $0x0  }
0x12: {  	s1 =	sld [smem:$0x3F9D];
	s0 =	simm.s32 @p0 $0x1  }
0x13: {  	[smem:$0x3FB8] =	sst s0;
	s0 =	simm.s32 @!p1 $0x0  }
0x14: {  	s2 =	sld [smem:$0x3F9C];
	s0 =	simm.s32 @p1 $0x1  }
0x15: {  	[smem:$0x3FB9] =	sst s0;
	s0 =	simm.s32 @!p2 $0x0  }
0x16: {  	s3 =	sld [smem:$0x3FDB];
	s0 =	simm.s32 @p2 $0x1  }
0x17: {  	s4 =	simm.s32 $0x1BF5;
	[smem:$0x3FBB] =	sst s0  }
0x18: {  	s0 =	sld [smem:$0x3F9E];
	_ =	swait.ge [sflag:s4], $0x0  }
0x19: {  	s7 =	sld [smem:$0x3F9F]  }
0x1a: {  	s8 =	sadd.s32 $0xFFFFE003, lr  }
0x1b: {  	s9 =	sadd.s32 $0xFFFFFEF7, lr;
	s5 =	simm.s32 $0xFFFFFFFF;
	p2 =	slt.u32 s8, $0xFFFFF086  }
0x1c: {  	p1 =	slt.u32 s9, $0xF7A;
	s5 =	simm.s32 @!p2 $0x0  }
0x1d: {  	s5 =	simm.s32 @p1 $0x1;
	p0 =	seq.s32 s7, s2  }
0x1e: {  	s7 =	smul.u32 @!p0 $0xF7A, s2;
	p2 =	seq.s32 @!p0 s5, $0x0  }
0x1f: {  	s9 =	smul.u32 $0xF7A, s1;
	s8 =	simm.s32 @!p0 $0x1BF5;
	p2 =	por !p2, p0  }
0x20: {  	[sflag:s8] =	ssyncset.s32 @!p0 $0xFFFFF086;
	s6 =	sadd.s32 @!p0 s3, s7;
	s7 =	simm.s32 @!p0 $0x108  }
0x21: {  	s3 =	sadd.s32 s3, s9;
	s6 =	sadd.s32 @!p0 $0x88, s6;
	s7 =	simm.s32 @p2 $0x1082  }
0x22: {  	[simem:s7], [sflag:s8] =	dma.local @!p0 [hbm:s6], $0xF7A  }
0x23: {  	s9 =	sor.u32 $0xD0000000, s2;
	s6 =	simm.s32 $0x108;
	_ =	swait.ge @!p0 [sflag:s8], $0x0  }
0x24: {  	s3 =	sadd.s32 $0x88, s3;
	s6 =	simm.s32 @!p1 $0x1082;
	[sflag:s4] =	ssyncset.s32 $0xFFFFF086  }
0x25: {  	[simem:s6], [sflag:s4] =	dma.local [hbm:s3], $0xF7A  }
0x26: {  	[smem:$0x3F9F] =	sst s1;
	(tag) =	ssettag s2;
	_ =	strace s9  }
0x27: {  	s1 =	sld [smem:$0x3FAF]  }
0x28: {  	s2 =	sld [smem:$0x3FB0]  }
0x29: {  	s4 =	sld [smem:$0x3FB2]  }
0x2a: {  	p0 =	seq.s32 s5, $0x0;
	s5 =	sld [smem:$0x3FB3]  }
0x2b: {  	s6 =	sld [smem:$0x3FB4]  }
0x2c: {  	s7 =	sld [smem:$0x3FB5]  }
0x2d: {  	s3 =	simm.s32 $0x108;
	s8 =	sld [smem:$0x3FB6]  }
0x2e: {  	s3 =	simm.s32 @!p0 $0x1082;
	s9 =	sld [smem:$0x3FB7]  }
0x2f: {  	lr =	sadd.s32 s0, s3;
	s0 =	sld [smem:$0x3FAE]  }
0x30: {  	s3 =	sld [smem:$0x3FB1]  }
0x31: {  	[smem:$0x3FBA] =	sst s10  }
0x32: {  	s10 =	sld [smem:$0x3FB8];
	_ =	sdelay $0x3  }
0x33: {  	p0 =	seq.s32 s10, $0x1;
	s10 =	sld [smem:$0x3FBA];
	_ =	sdelay $0x3  }
0x34: {  	[smem:$0x3FBA] =	sst s10  }
0x35: {  	s10 =	sld [smem:$0x3FB9];
	_ =	sdelay $0x3  }
0x36: {  	p1 =	seq.s32 s10, $0x1;
	s10 =	sld [smem:$0x3FBA];
	_ =	sdelay $0x3  }
0x37: {  	[smem:$0x3FBA] =	sst s10  }
0x38: {  	s10 =	sld [smem:$0x3FBB]  }
0x39: {  	_ = 	snop;
	(pc) =	sbr.ind lr, $3  }
0x3a: {  	_ = 	snop  }
0x3b: {  	_ = 	snop  }
0x3c: {  	p2 =	seq.s32 s10, $0x1;
	s10 =	sld [smem:$0x3FBA]  }
0x3d: {  	_ =	shalt  }
0x3e: {  	_ =	shalt  }
0x3f: {  	_ =	shalt  }
0x40: {  	_ =	shalt  }
0x41: {  	_ =	shalt  }
0x42: {  	_ =	shalt  }
0x43: {  	_ =	shalt  }
0x44: {  	_ =	shalt  }
0x45: {  	_ =	shalt  }
0x46: {  	_ =	shalt  }
0x47: {  	_ =	shalt  }
0x48: {  	_ =	shalt  }
0x49: {  	_ =	shalt  }
0x4a: {  	_ =	shalt  }
0x4b: {  	_ =	shalt  }
0x4c: {  	_ =	shalt  }
0x4d: {  	_ =	shalt  }
0x4e: {  	_ =	shalt  }
0x4f: {  	_ =	shalt  }
0x50: {  	_ =	shalt  }
0x51: {  	_ =	shalt  }
0x52: {  	_ =	shalt  }
0x53: {  	_ =	shalt  }
0x54: {  	_ =	shalt  }
0x55: {  	_ =	shalt  }
0x56: {  	_ =	shalt  }
0x57: {  	_ =	shalt  }
0x58: {  	_ =	shalt  }
0x59: {  	_ =	shalt  }
0x5a: {  	_ =	shalt  }
0x5b: {  	_ =	shalt  }
0x5c: {  	_ =	shalt  }
0x5d: {  	_ =	shalt  }
0x5e: {  	_ =	shalt  }
0x5f: {  	_ =	shalt  }
0x60: {  	_ =	shalt  }
0x61: {  	_ =	shalt  }
0x62: {  	_ =	shalt  }
0x63: {  	_ =	shalt  }
0x64: {  	_ =	shalt  }
0x65: {  	_ =	shalt  }
0x66: {  	_ =	shalt  }
0x67: {  	_ =	shalt  }
0x68: {  	_ =	shalt  }
0x69: {  	_ =	shalt  }
0x6a: {  	_ =	shalt  }
0x6b: {  	_ =	shalt  }
0x6c: {  	_ =	shalt  }
0x6d: {  	_ =	shalt  }
0x6e: {  	_ =	shalt  }
0x6f: {  	_ =	shalt  }
0x70: {  	_ =	shalt  }
0x71: {  	_ =	shalt  }
0x72: {  	_ =	shalt  }
0x73: {  	_ =	shalt  }
0x74: {  	_ =	shalt  }
0x75: {  	_ =	shalt  }
0x76: {  	_ =	shalt  }
0x77: {  	_ =	shalt  }
0x78: {  	_ =	shalt  }
0x79: {  	_ =	shalt  }
0x7a: {  	_ =	shalt  }
0x7b: {  	_ =	shalt  }
0x7c: {  	_ =	shalt  }
0x7d: {  	_ =	shalt  }
0x7e: {  	_ =	shalt  }
0x7f: {  	_ =	shalt  }
0x80: {  	_ =	shalt  }
0x81: {  	_ =	shalt  }
0x82: {  	_ =	shalt  }
0x83: {  	_ =	shalt  }
0x84: {  	_ =	shalt  }
0x85: {  	_ =	shalt  }
0x86: {  	_ =	shalt  }
0x87: {  	_ =	shalt  }
.Lfunc_end0:
.L_simem_size_0:
called_computation_lowered:
.L_overlay_start_0:
0x88: {  	s2 =	sld [smem:$0x3FD9]  }
0x89: {  	s3 =	sld [smem:$0x3FFE];
	_ =	sdelay $0x1  }
0x8a: {  	s1 =	srdreg.scid  }
0x8b: {  	s0 =	sand.u32 $0x1, s1  }
0x8c: {  	s18 =	sshll.u32 s0, $0xA;
	s2 =	sadd.s32 s3, s2  }
0x8d: {  	s2 =	sadd.s32 s2, s18  }
0x8e: {  	[smem:$0x3FC6] =	sst s2  }
0x8f: {  	_ = 	snop  }
0x90: {  	s2 =	sld [smem:$0x3FC9]  }
0x91: {  	s19 =	sld [smem:$0x3FC8]  }
0x92: {  	s4 =	sld [smem:$0x3FD0];
	(tm) =	ssettm $0x1  }
0x93: {  	s5 =	sld [smem:$0x3FFB];
	_ =	sdelay $0x3  }
0x94: {  	_ =	strace s5  }
0x95: {  	s5 =	sld [smem:$0x3FFC];
	_ =	sdelay $0x3  }
0x96: {  	_ =	strace s5  }
0x97: {  	s5 =	sld [smem:$0x3FFD];
	_ =	sdelay $0x3  }
0x98: {  	_ =	strace s5  }
0x99: {  	_ =	strace $0x8FFFFFFF  }
0x9a: {  	s20 =	sld [smem:$0x3FDB];
	_ =	sdelay $0x1  }
0x9b: {  	s6 =	simm.s32 $_scs_section_size  }
0x9c: {  	s7 =	simm.s32 $_size__tile_overlayer_lowered;
	s8 =	simm.s32 $_tile_overlayer_lowered  }
0x9d: {  	s23 =	simm.s32 $0x1BFF;
	s22 =	sshll.u32 s8, $0x1;
	s5 =	sadd.s32 s6, s20  }
0x9e: {  	s9 =	simm.s32 $0x0;
	s21 =	sshll.u32 s7, $0x1;
	s7 =	sadd.s32 s22, s5  }
0x9f: {  	[timem:s9], [sflag:s23] =	dma.local [hbm:s7], s21  }
0xa0: {  	_ =	swait.ge [sflag:s23], s21  }
0xa1: {  	s6 =	ssub.s32 $0x0, s21;
	[sflag:s23] =	ssyncset.done $0x0  }
0xa2: {  	[sflag:s23] =	ssyncadd.s32 s6;
	_ =	sdelay $0x1  }
0xa3: {  	s24 =	simm.s32 $0x1B8B  }
0xa4: {  	_ =	swait.ge [sflag:s24], $0x1  }
0xa5: {  	[sflag:s24] =	ssyncset.done $0x0  }
0xa6: {  	s25 =	simm.s32 $0x1B8E;
	[sflag:s24] =	ssyncadd.s32 $0xFFFFFFFF  }
0xa7: {  	s26 =	simm.s32 $execute0_lowered;
	[smem:$0x3FD2] =	sst s25  }
0xa8: {  	s6 =	sshll.u32 s26, $0x1;
	_ =	strace $0x80000046;
	[dreg:$0x1] =	wrdreg $0xFFFFFFFF  }
0xa9: {  	s28 =	simm.s32 $_size_execute0_lowered;
	s5 =	sadd.s32 s5, s6;
	[dreg:$0x0] =	wrdreg $0x0  }
0xaa: {  	s6 =	sshll.u32 s28, $0x1;
	[dreg:$0x2] =	wrdreg s5  }
0xab: {  	[dreg:$0x3] =	wrdreg s6  }
0xac: {  	[dreg:$0x4] =	wrdreg $0xC0  }
0xad: {  	_ =	task [dreg:s9], $0x5FFFF  }
0xae: {  	[dreg:$0x1] =	wrdreg $0xFFFFFFFF  }
0xaf: {  	[dreg:$0x0] =	wrdreg $0x60  }
0xb0: {  	[dreg:$0x2] =	wrdreg s2  }
0xb1: {  	[dreg:$0x3] =	wrdreg s19  }
0xb2: {  	[dreg:$0x4] =	wrdreg s4  }
0xb3: {  	[dreg:$0x5] =	wrdreg $0x9  }
0xb4: {  	_ =	task.clear_ibuf [dreg:s9], $0x6FFFF;
	_ =	strace $0x90000046  }
0xb5: {  	s29 =	simm.s32 $0x9;
	_ =	strace $0x80000048  }
0xb6: {  	_ =	swait.ge [sflag:s29], $0x1  }
0xb7: {  	[sflag:s29] =	ssyncadd.s32 $0xFFFFFFFF  }
0xb8: {  	_ =	strace $0x90000048  }
0xb9: {  	_ =	sfence  }
0xba: {  	s30 =	sld [smem:$0x0];
	_ =	sdelay $0x2  }
0xbb: {  	s31 =	sshll.u32 s1, $0xD;
	s1 =	sshrl.u32 s1, $0x2  }
0xbc: {  	s3 =	sand.u32 $0x4000, s31;
	s1 =	sadd.s32 s1, s30  }
0xbd: {  	s0 =	sor.u32 s3, s0;
	s1 =	sshll.u32 s1, $0x11  }
0xbe: {  	s0 =	sor.u32 s1, s0  }
0xbf: {  	s0 =	sadd.s32 $0x8F2B, s0  }
0xc0: {  	[sflag:s0] =	ssyncadd.remote.s32 $0x1  }
0xc1: {  	_ =	sfence.sel $0xFFFF  }
0xc2: {  	[dreg:$0x0] =	wrdreg $0xFFFFFFFF;
	(pc) =	sbr.abs _section_cstart, $3  }
0xc3: {  	[dreg:$0x1] =	wrdreg $0xFFFFFFFF  }
0xc4: {  	_ =	task.clear_ibuf [dreg:s9], $0x2FFFF;
	_ =	strace $0x9FFFFFFF  }
0xc5: {  	(tm) =	ssettm $0x7FFFFFFF  }
tec
execute0_lowered:
.L_overlay_start_1:
0x0: {  	(tag) =	ssettag $0x1  }
0x1: {  	s1 =	rddreg [dreg:$0x0]  }
0x2: {  	s2 =	srdreg.scid;
	s0 =	stileid.u32  }
0x3: {  	s4 =	rddreg [dreg:$0x1];
	s6 =	sand.u32 $0x1, s2;
	s3 =	sshll.u32 s0, $0x1  }
0x4: {  	s5 =	rddreg [dreg:$0x2];
	v0 =	vlaneseq.u32;
	s10 =	simm.s32 $0x0;
	s7 =	sor.u32 s6, s3  }
0x5: {  	v0 =	vmul.u32 $0x10, v0;
	s3 =	simm.s32 $0x0;
	s6 =	ssub.s32 $0x2, s6;
	s8 =	smul.u32 $0x280, s7  }
0x6: {  	[smem:$0x7FF] =	sst s3;
	s9 =	sshrl.u32 s6, $0x1;
	s7 =	smul.u32 $0x28, s7  }
0x7: {  	s2 =	rddreg [dreg:$0x3];
	v1 =	vor.u32 $0x1, v0;
	_ =	strace $0x80000047;
	s6 =	ssub.s32 s6, s9  }
0x8: {  	v2 =	vor.u32 $0x2, v0;
	v3 =	vor.u32 $0x3, v0;
	v4 =	vor.u32 $0x4, v0;
	s9 =	simm.s32 $0x3B10;
	s4 =	sadd.s32 s4, s8;
	s5 =	sadd.s32 s5, s7  }
0x9: {  	v5 =	vor.u32 $0x5, v0;
	v6 =	vor.u32 $0x6, v0;
	v7 =	vor.u32 $0x7, v0;
	s6 =	smax.u32 s6, $0x1;
	s7 =	simm.s32 $0x1;
	s8 =	simm.s32 $0x2710  }
.LBB2_1:
0xa: {  	[tilespmem:s3], [sflag:$0x1] =	stream.linear.gather [hbm4b:s1+s3], $0x2710, $0x38;
	[tilespmem:$0x3C50] =	vst v63  }
0xb: {  	_ =	swait.ge [sflag:s7], $0x2710  }
0xc: {  	s11 =	simm.s32 $0x0;
	[sflag:s7] =	ssyncset.done $0x0  }
0xd: {  	s12 =	simm.s32 $0x8;
	v8 =	vor.u32 s11, v0;
	[sflag:s7] =	ssyncadd.s32 $0xFFFFD8F0  }
0xe: {  	v9 =	vor.u32 s12, v0;
	[tilespmem:s8], [sflag:$0x1] =	stream.linear.gather [hbm4b:s4+s3], $0x1400, $0x38;
	[tilespmem:$0x3C50] =	vst v63  }
0xf: {  	s17 =	simm.s32 $0xC;
	v10 =	vor.u32 s11, v4;
	_ =	swait.ge [sflag:s7], $0x1400  }
0x10: {  	v11 =	vor.u32 s17, v4;
	[sflag:s7] =	ssyncset.done $0x0  }
0x11: {  	s18 =	simm.s32 $0xA;
	v12 =	vor.u32 s11, v2;
	[sflag:s7] =	ssyncadd.s32 $0xFFFFEC00  }
0x12: {  	v13 =	vor.u32 s18, v2;
	v8 =	vld.idx.msk [tilespmem:v8+s8+$0x0], $0xffff  }
0x13: {  	s19 =	simm.s32 $0xE;
	v14 =	vor.u32 s11, v6;
	v9 =	vld.idx.msk [tilespmem:v9+s8+$0x0], $0xffff  }
0x14: {  	v15 =	vor.u32 s19, v6;
	v10 =	vld.idx.msk [tilespmem:v10+s8+$0x0], $0xffff  }
0x15: {  	s20 =	simm.s32 $0x9;
	v16 =	vor.u32 s11, v1;
	v11 =	vld.idx.msk [tilespmem:v11+s8+$0x0], $0xffff  }
0x16: {  	v17 =	vor.u32 s20, v1;
	v12 =	vld.idx.msk [tilespmem:v12+s8+$0x0], $0xffff  }
0x17: {  	s21 =	simm.s32 $0xD;
	v18 =	vor.u32 s11, v5;
	v13 =	vld.idx.msk [tilespmem:v13+s8+$0x0], $0xffff  }
0x18: {  	v19 =	vor.u32 s21, v5;
	v14 =	vld.idx.msk [tilespmem:v14+s8+$0x0], $0xffff  }
0x19: {  	s22 =	simm.s32 $0xB;
	v20 =	vor.u32 s11, v3;
	v15 =	vld.idx.msk [tilespmem:v15+s8+$0x0], $0xffff  }
0x1a: {  	v21 =	vor.u32 s22, v3;
	v16 =	vld.idx.msk [tilespmem:v16+s8+$0x0], $0xffff  }
0x1b: {  	s23 =	simm.s32 $0xF;
	v22 =	vor.u32 s11, v7;
	v17 =	vld.idx.msk [tilespmem:v17+s8+$0x0], $0xffff  }
0x1c: {  	v23 =	vor.u32 s23, v7;
	v18 =	vld.idx.msk [tilespmem:v18+s8+$0x0], $0xffff  }
0x1d: {  	v19 =	vld.idx.msk [tilespmem:v19+s8+$0x0], $0xffff  }
0x1e: {  	v20 =	vld.idx.msk [tilespmem:v20+s8+$0x0], $0xffff  }
0x1f: {  	v21 =	vld.idx.msk [tilespmem:v21+s8+$0x0], $0xffff  }
0x20: {  	v22 =	vld.idx.msk [tilespmem:v22+s8+$0x0], $0xffff  }
0x21: {  	v23 =	vld.idx.msk [tilespmem:v23+s8+$0x0], $0xffff  }
0x22: {  	v8 =	vld.idx.msk [tilespmem:v8+s3+$0x0], $0xffff  }
0x23: {  	v9 =	vld.idx.msk [tilespmem:v9+s3+$0x0], $0xffff  }
0x24: {  	v10 =	vld.idx.msk [tilespmem:v10+s3+$0x0], $0xffff  }
0x25: {  	v11 =	vld.idx.msk [tilespmem:v11+s3+$0x0], $0xffff  }
0x26: {  	v12 =	vld.idx.msk [tilespmem:v12+s3+$0x0], $0xffff  }
0x27: {  	v13 =	vld.idx.msk [tilespmem:v13+s3+$0x0], $0xffff  }
0x28: {  	v14 =	vld.idx.msk [tilespmem:v14+s3+$0x0], $0xffff  }
0x29: {  	v15 =	vld.idx.msk [tilespmem:v15+s3+$0x0], $0xffff  }
0x2a: {  	v16 =	vld.idx.msk [tilespmem:v16+s3+$0x0], $0xffff  }
0x2b: {  	v17 =	vld.idx.msk [tilespmem:v17+s3+$0x0], $0xffff  }
0x2c: {  	v18 =	vld.idx.msk [tilespmem:v18+s3+$0x0], $0xffff  }
0x2d: {  	v19 =	vld.idx.msk [tilespmem:v19+s3+$0x0], $0xffff  }
0x2e: {  	v20 =	vld.idx.msk [tilespmem:v20+s3+$0x0], $0xffff  }
0x2f: {  	v21 =	vld.idx.msk [tilespmem:v21+s3+$0x0], $0xffff  }
0x30: {  	v22 =	vld.idx.msk [tilespmem:v22+s3+$0x0], $0xffff  }
0x31: {  	v23 =	vld.idx.msk [tilespmem:v23+s3+$0x0], $0xffff;
	_ =	sdelay $0x1  }
0x32: {  	v8 =	vadd.f32 v9, v8;
	v9 =	vadd.f32 v11, v10  }
0x33: {  	v10 =	vadd.f32 v13, v12;
	v11 =	vadd.f32 v15, v14  }
0x34: {  	v12 =	vadd.f32 v17, v16;
	v13 =	vadd.f32 v19, v18  }
0x35: {  	v14 =	vadd.f32 v21, v20;
	v15 =	vadd.f32 v23, v22  }
0x36: {  	v8 =	vadd.f32 v9, v8;
	v9 =	vadd.f32 v11, v10  }
0x37: {  	v10 =	vadd.f32 v13, v12;
	v11 =	vadd.f32 v15, v14  }
0x38: {  	s24 =	simm.s32 $0x100  }
0x39: {  	s25 =	simm.s32 $0x108;
	v12 =	vor.u32 s24, v0;
	v8 =	vadd.f32 v9, v8;
	v9 =	vadd.f32 v11, v10  }
0x3a: {  	v10 =	vor.u32 s25, v0  }
0x3b: {  	v11 =	vor.u32 s24, v4;
	v8 =	vadd.f32 v9, v8  }
0x3c: {  	v13 =	vor.u32 s24, v2  }
0x3d: {  	s29 =	simm.s32 $0x10E;
	v14 =	vor.u32 s24, v6;
	[tilespmem:s9+$0x0] =	vst v8  }
0x3e: {  	s26 =	simm.s32 $0x10C;
	v15 =	vor.u32 s29, v6;
	v8 =	vld.idx.msk [tilespmem:v12+s8+$0x0], $0xffff  }
0x3f: {  	s28 =	simm.s32 $0x10A;
	v9 =	vor.u32 s26, v4;
	v10 =	vld.idx.msk [tilespmem:v10+s8+$0x0], $0xffff  }
0x40: {  	v12 =	vor.u32 s28, v2;
	v11 =	vld.idx.msk [tilespmem:v11+s8+$0x0], $0xffff  }
0x41: {  	v13 =	vld.idx.msk [tilespmem:v13+s8+$0x0], $0xffff  }
0x42: {  	v14 =	vld.idx.msk [tilespmem:v14+s8+$0x0], $0xffff  }
0x43: {  	v15 =	vld.idx.msk [tilespmem:v15+s8+$0x0], $0xffff  }
0x44: {  	v16 =	vld.idx.msk [tilespmem:v9+s8+$0x0], $0xffff  }
0x45: {  	v17 =	vld.idx.msk [tilespmem:v12+s8+$0x0], $0xffff  }
0x46: {  	v8 =	vld.idx.msk [tilespmem:v8+s3+$0x0], $0xffff  }
0x47: {  	v9 =	vld.idx.msk [tilespmem:v10+s3+$0x0], $0xffff  }
0x48: {  	v20 =	vor.u32 s24, v1;
	v10 =	vld.idx.msk [tilespmem:v11+s3+$0x0], $0xffff  }
0x49: {  	s30 =	simm.s32 $0x109;
	v12 =	vld.idx.msk [tilespmem:v13+s3+$0x0], $0xffff  }
0x4a: {  	v23 =	vor.u32 s30, v1;
	v14 =	vld.idx.msk [tilespmem:v14+s3+$0x0], $0xffff  }
0x4b: {  	s31 =	simm.s32 $0x10D;
	v18 =	vor.u32 s24, v5;
	v15 =	vld.idx.msk [tilespmem:v15+s3+$0x0], $0xffff  }
0x4c: {  	v19 =	vor.u32 s31, v5;
	v11 =	vld.idx.msk [tilespmem:v16+s3+$0x0], $0xffff  }
0x4d: {  	s13 =	simm.s32 $0x10B;
	v16 =	vld.idx.msk [tilespmem:v20+s8+$0x0], $0xffff;
	v20 =	vor.u32 s24, v3  }
0x4e: {  	v21 =	vor.u32 s13, v3;
	v13 =	vld.idx.msk [tilespmem:v17+s3+$0x0], $0xffff  }
0x4f: {  	s12 =	simm.s32 $0x10F;
	s11 =	simm.s32 $0x3B10;
	v22 =	vor.u32 s24, v7;
	s13 =	simm.s32 $0x20F;
	v17 =	vld.idx.msk [tilespmem:v23+s8+$0x0], $0xffff  }
.LBB2_2:
0x50: {  	p0 =	sne.s32 s13, $0x130F;
	v18 =	vld.idx.msk [tilespmem:v18+s8+$0x0], $0xffff;
	v23 =	vor.u32 s12, v7;
	s12 =	smov.u32 s13  }
0x51: {  	v19 =	vld.idx.msk [tilespmem:v19+s8+$0x0], $0xffff  }
0x52: {  	v20 =	vld.idx.msk [tilespmem:v20+s8+$0x0], $0xffff  }
0x53: {  	v21 =	vld.idx.msk [tilespmem:v21+s8+$0x0], $0xffff  }
0x54: {  	v22 =	vld.idx.msk [tilespmem:v22+s8+$0x0], $0xffff  }
0x55: {  	v23 =	vld.idx.msk [tilespmem:v23+s8+$0x0], $0xffff  }
0x56: {  	v16 =	vld.idx.msk [tilespmem:v16+s3+$0x0], $0xffff  }
0x57: {  	v17 =	vld.idx.msk [tilespmem:v17+s3+$0x0], $0xffff  }
0x58: {  	v18 =	vld.idx.msk [tilespmem:v18+s3+$0x0], $0xffff  }
0x59: {  	v19 =	vld.idx.msk [tilespmem:v19+s3+$0x0], $0xffff  }
0x5a: {  	v20 =	vld.idx.msk [tilespmem:v20+s3+$0x0], $0xffff  }
0x5b: {  	v21 =	vld.idx.msk [tilespmem:v21+s3+$0x0], $0xffff  }
0x5c: {  	v22 =	vld.idx.msk [tilespmem:v22+s3+$0x0], $0xffff  }
0x5d: {  	v23 =	vld.idx.msk [tilespmem:v23+s3+$0x0], $0xffff;
	_ =	sdelay $0x2  }
0x5e: {  	v8 =	vadd.f32 v9, v8;
	v9 =	vadd.f32 v11, v10  }
0x5f: {  	v10 =	vadd.f32 v13, v12;
	v11 =	vadd.f32 v15, v14  }
0x60: {  	v12 =	vadd.f32 v17, v16;
	v13 =	vadd.f32 v19, v18  }
0x61: {  	v14 =	vadd.f32 v21, v20;
	v15 =	vadd.f32 v23, v22  }
0x62: {  	v8 =	vadd.f32 v9, v8;
	v9 =	vadd.f32 v11, v10  }
0x63: {  	v10 =	vadd.f32 v13, v12;
	v11 =	vadd.f32 v15, v14  }
0x64: {  	s14 =	sadd.s32 $0xFFFFFFF1, s13  }
0x65: {  	s15 =	sadd.s32 $0xFFFFFFF9, s13;
	v8 =	vadd.f32 v9, v8;
	v12 =	vor.u32 s14, v0;
	v9 =	vadd.f32 v11, v10  }
0x66: {  	v10 =	vor.u32 s15, v0  }
0x67: {  	v11 =	vor.u32 s14, v4;
	s15 =	sadd.s32 $0xFFFFFFFD, s13;
	v8 =	vadd.f32 v9, v8  }
0x68: {  	s11 =	sadd.s32 $0x10, s11;
	v9 =	vor.u32 s15, v4  }
0x69: {  	v13 =	vor.u32 s14, v2;
	s15 =	sadd.s32 $0xFFFFFFFB, s13;
	[tilespmem:s11+$0x0] =	vst v8  }
0x6a: {  	v8 =	vld.idx.msk [tilespmem:v12+s8+$0x0], $0xffff;
	v12 =	vor.u32 s15, v2  }
0x6b: {  	v14 =	vor.u32 s14, v6;
	s15 =	sadd.s32 $0xFFFFFFFF, s13;
	v10 =	vld.idx.msk [tilespmem:v10+s8+$0x0], $0xffff  }
0x6c: {  	v15 =	vor.u32 s15, v6;
	v11 =	vld.idx.msk [tilespmem:v11+s8+$0x0], $0xffff  }
0x6d: {  	v16 =	vld.idx.msk [tilespmem:v9+s8+$0x0], $0xffff  }
0x6e: {  	v13 =	vld.idx.msk [tilespmem:v13+s8+$0x0], $0xffff  }
0x6f: {  	v17 =	vld.idx.msk [tilespmem:v12+s8+$0x0], $0xffff  }
0x70: {  	v14 =	vld.idx.msk [tilespmem:v14+s8+$0x0], $0xffff  }
0x71: {  	v15 =	vld.idx.msk [tilespmem:v15+s8+$0x0], $0xffff  }
0x72: {  	v8 =	vld.idx.msk [tilespmem:v8+s3+$0x0], $0xffff  }
0x73: {  	v9 =	vld.idx.msk [tilespmem:v10+s3+$0x0], $0xffff  }
0x74: {  	v10 =	vld.idx.msk [tilespmem:v11+s3+$0x0], $0xffff  }
0x75: {  	v21 =	vor.u32 s14, v1;
	s15 =	sadd.s32 $0xFFFFFFFA, s13;
	v11 =	vld.idx.msk [tilespmem:v16+s3+$0x0], $0xffff  }
0x76: {  	v23 =	vor.u32 s15, v1;
	v12 =	vld.idx.msk [tilespmem:v13+s3+$0x0], $0xffff  }
.Ltmp0:
0x77: {  	v18 =	vor.u32 s14, v5;
	s15 =	sadd.s32 $0xFFFFFFFE, s13;
	v13 =	vld.idx.msk [tilespmem:v17+s3+$0x0], $0xffff;
	(pc) =	sbr.rel @p0 .LBB2_2-.Ltmp0, $4  }
0x78: {  	v19 =	vor.u32 s15, v5;
	v14 =	vld.idx.msk [tilespmem:v14+s3+$0x0], $0xffff  }
0x79: {  	v20 =	vor.u32 s14, v3;
	s15 =	sadd.s32 $0xFFFFFFFC, s13;
	v15 =	vld.idx.msk [tilespmem:v15+s3+$0x0], $0xffff  }
0x7a: {  	v16 =	vld.idx.msk [tilespmem:v21+s8+$0x0], $0xffff;
	v21 =	vor.u32 s15, v3  }
0x7b: {  	v22 =	vor.u32 s14, v7;
	s13 =	sadd.s32 $0x100, s13;
	v17 =	vld.idx.msk [tilespmem:v23+s8+$0x0], $0xffff  }
0x7c: {  	_ =	sdelay $0x3  }
0x7d: {  	v18 =	vld.idx.msk [tilespmem:v18+s8+$0x0], $0xffff;
	v23 =	vor.u32 s12, v7  }
0x7e: {  	v19 =	vld.idx.msk [tilespmem:v19+s8+$0x0], $0xffff  }
0x7f: {  	v20 =	vld.idx.msk [tilespmem:v20+s8+$0x0], $0xffff  }
0x80: {  	v21 =	vld.idx.msk [tilespmem:v21+s8+$0x0], $0xffff  }
0x81: {  	v22 =	vld.idx.msk [tilespmem:v22+s8+$0x0], $0xffff  }
0x82: {  	v23 =	vld.idx.msk [tilespmem:v23+s8+$0x0], $0xffff  }
0x83: {  	v16 =	vld.idx.msk [tilespmem:v16+s3+$0x0], $0xffff  }
0x84: {  	v17 =	vld.idx.msk [tilespmem:v17+s3+$0x0], $0xffff  }
0x85: {  	v18 =	vld.idx.msk [tilespmem:v18+s3+$0x0], $0xffff  }
0x86: {  	v19 =	vld.idx.msk [tilespmem:v19+s3+$0x0], $0xffff  }
0x87: {  	v20 =	vld.idx.msk [tilespmem:v20+s3+$0x0], $0xffff  }
0x88: {  	v21 =	vld.idx.msk [tilespmem:v21+s3+$0x0], $0xffff  }
0x89: {  	v22 =	vld.idx.msk [tilespmem:v22+s3+$0x0], $0xffff  }
0x8a: {  	v23 =	vld.idx.msk [tilespmem:v23+s3+$0x0], $0xffff;
	_ =	sdelay $0x1  }
0x8b: {  	v8 =	vadd.f32 v9, v8;
	v53 =	vadd.f32 v11, v10  }
0x8c: {  	v54 =	vadd.f32 v13, v12;
	v55 =	vadd.f32 v15, v14  }
0x8d: {  	v56 =	vadd.f32 v17, v16;
	v57 =	vadd.f32 v19, v18  }
0x8e: {  	v58 =	vadd.f32 v21, v20;
	v59 =	vadd.f32 v23, v22  }
0x8f: {  	v8 =	vadd.f32 v53, v8;
	v60 =	vadd.f32 v55, v54  }
0x90: {  	v61 =	vadd.f32 v57, v56;
	v62 =	vadd.f32 v59, v58;
	_ =	sdelay $0x1  }
0x91: {  	v8 =	vadd.f32 v60, v8;
	v63 =	vadd.f32 v62, v61;
	_ =	sdelay $0x1  }
0x92: {  	s10 =	sadd.s32 $0x1, s10;
	v8 =	vadd.f32 v63, v8  }
0x93: {  	s11 =	sadd.s32 $0x10, s11;
	p0 =	sne.s32 s10, s6  }
.Ltmp1:
0x94: {  	[tilespmem:s11+$0x0] =	vst v8;
	(pc) =	sbr.rel @p0 .LBB2_1-.Ltmp1, $4  }
0x95: {  	[hbm4b:s5+s3] =	stream.linear.scatter [tilespmem:s9], [sflag:$0x1], $0x140, $0x38;
	[tilespmem:$0x3C50] =	vst v63  }
0x96: {  	_ =	swait.ge [sflag:s7], $0x140  }
0x97: {  	[sflag:s7] =	ssyncset.done $0x0  }
0x98: {  	[sflag:s7] =	ssyncadd.s32 $0xFFFFFEC0  }
0x99: {  	_ =	sfence.sel $0x180000  }
0x9a: {  	[bflag:$0x0] =	sbarrier.arrive $0xFFFF  }
0x9b: {  	p0 =	sne.s32 s0, $0x0;
	_ =	strace $0x90000047  }
0x9c: {  	s0 =	sadd.s32 @!p0 $0x100000, s2;
	[bflag:$0x2] =	sbarrier.arrive $0xFFFF  }
0x9d: {  	[sflag:s0] =	ssyncadd.tile.s32 @!p0 $0x1;
	_ =	shalt  }
.Lfunc_end2:
_tile_overlayer_lowered:
.L_overlay_start_2:
0x9e: {  	(tag) =	ssettag $0x2  }
0x9f: {  	s0 =	rddreg [dreg:$0x0];
	s2 =	stileid.u32  }
0xa0: {  	s1 =	rddreg [dreg:$0x1];
	p0 =	sne.s32 s2, $0x0  }
0xa1: {  	s3 =	rddreg [dreg:$0x2];
	[bflag:$0x3] =	sbarrier.arrive $0xFFFF;
	s2 =	simm.s32 @!p0 $0x1C01  }
0xa2: {  	[timem:s3], [sflag:s2] =	dma.local @!p0 [hbm:s0], s1  }
0xa3: {  	s0 =	simm.s32 @!p0 $0x1  }
0xa4: {  	_ =	swait.ge @!p0 [sflag:s0], s1  }
0xa5: {  	s1 =	ssub.s32 @!p0 $0x0, s1;
	[sflag:s0] =	ssyncset.done @!p0 $0x0  }
0xa6: {  	[sflag:s0] =	ssyncadd.s32 @!p0 s1  }
0xa7: {  	[bflag:$0x3] =	sbarrier.arrive $0xFFFF  }
0xa8: {  	_ =	shalt  }

</sc_bundles>
